<compile_context>
chip_gen: v7x
topology: tpu7x:2x2x1
jax: 0.10.2.dev20260603
libtpu: 0.0.44.dev20260713+nightly
codegen_flags: <defaults>
</compile_context>

<pallas_src>
import jax
import jax.numpy as jnp
from jax.experimental import pallas as pl
from jax.experimental.pallas import tpu as pltpu

_D = 1024
_E = 16
_H = 128
_K = 2
_BM = 128
_N = 4096
_R = _N * _K
_P = _R + _E * _BM
_NT = _P // _BM


def _router_kernel(x_ref, selt_ref, gates_ref):
    logits = jnp.dot(x_ref[...], selt_ref[...], preferred_element_type=jnp.float32)
    gates_ref[...] = jax.nn.sigmoid(logits)


def _ffn_kernel(eot_ref, xs_ref, gate_ref, keys_ref, values_ref, out_ref):
    del eot_ref
    h = jnp.dot(xs_ref[...], keys_ref[0], preferred_element_type=jnp.float32)
    h = jnp.maximum(h, 0.0) * gate_ref[0, 0][:, None]
    out_ref[...] = jnp.dot(h, values_ref[0], preferred_element_type=jnp.float32)


def kernel(x, expert_sel, keys, values):
    gates = pl.pallas_call(
        _router_kernel,
        out_shape=jax.ShapeDtypeStruct((_N, _E), jnp.float32),
    )(x, expert_sel.T)

    topv, topi = jax.lax.top_k(gates, _K)
    eids = topi.reshape(-1).astype(jnp.int32)
    gvals = topv.reshape(-1)
    tok = jnp.repeat(jnp.arange(_N, dtype=jnp.int32), _K)

    oh = (eids[:, None] == jnp.arange(_E, dtype=jnp.int32)[None, :]).astype(jnp.int32)
    ranks = jnp.take_along_axis(jnp.cumsum(oh, axis=0) - oh, eids[:, None], axis=1)[:, 0]
    counts = jnp.sum(oh, axis=0)
    padded_counts = ((counts + _BM - 1) // _BM) * _BM
    ends = jnp.cumsum(padded_counts)
    pad_off = ends - padded_counts
    slot = pad_off[eids] + ranks

    tok_pad = jnp.zeros((_P,), jnp.int32).at[slot].set(tok)
    gate_pad = jnp.zeros((_P,), jnp.float32).at[slot].set(gvals)
    xs_pad = x[tok_pad]

    tile_starts = jnp.arange(_NT, dtype=jnp.int32) * _BM
    eot = jnp.minimum(
        jnp.searchsorted(ends, tile_starts, side="right").astype(jnp.int32), _E - 1)

    ys = pl.pallas_call(
        _ffn_kernel,
        grid_spec=pltpu.PrefetchScalarGridSpec(
            num_scalar_prefetch=1,
            grid=(_NT,),
            in_specs=[
                pl.BlockSpec((_BM, _D), lambda i, eot: (i, 0)),
                pl.BlockSpec((1, 1, _BM), lambda i, eot: (i, 0, 0)),
                pl.BlockSpec((1, _D, _H), lambda i, eot: (eot[i], 0, 0)),
                pl.BlockSpec((1, _H, _D), lambda i, eot: (eot[i], 0, 0)),
            ],
            out_specs=pl.BlockSpec((_BM, _D), lambda i, eot: (i, 0)),
        ),
        out_shape=jax.ShapeDtypeStruct((_P, _D), jnp.float32),
    )(eot, xs_pad, gate_pad.reshape(_NT, 1, _BM), keys, values)

    return jnp.sum(ys[slot].reshape(_N, _K, _D), axis=1)

# --- scband reference (transcript-rebuilt; emitter-appended) ---
"""Pipeline reference for scband-sigma-mo-e-43327630082616 (READ-ONLY COPY).

The authoritative reference and input builder live on the scoring server;
editing this copy changes nothing except your own understanding.
"""

import jax, jax.numpy as jnp
import numpy as np

D_MODEL = 1024
N_EXPERTS = 16
EXPERT_SIZE = 128
TOP_K = 2
N_TOK = 4096  # batch=2 * seq_len=2048


def setup_inputs(seed: int = 0) -> dict:
    key = jax.random.key(seed)
    k1, k2, k3, k4 = jax.random.split(key, 4)
    x = jax.random.normal(k1, (N_TOK, D_MODEL), dtype=jnp.float32)
    # learned parameters (sized per init_kwargs)
    expert_sel = jax.random.normal(k2, (N_EXPERTS, D_MODEL), dtype=jnp.float32) / np.sqrt(D_MODEL)
    keys = jax.random.normal(k3, (N_EXPERTS, D_MODEL, EXPERT_SIZE), dtype=jnp.float32) / np.sqrt(D_MODEL)
    values = jax.random.normal(k4, (N_EXPERTS, EXPERT_SIZE, D_MODEL), dtype=jnp.float32) / np.sqrt(EXPERT_SIZE)
    return {"x": x, "expert_sel": expert_sel, "keys": keys, "values": values}


def reference(x, expert_sel, keys, values):
    # Sigma-MoE routing: sigmoid gating + top-k expert selection (non-competitive router).
    sel_logits = x @ expert_sel.T                      # [N, E]
    gates = jax.nn.sigmoid(sel_logits)                 # [N, E]
    topk_vals, topk_idx = jax.lax.top_k(gates, TOP_K)  # [N, k]
    n = x.shape[0]
    # Scatter selected gate values into a dense [N, E] gate matrix; unselected experts get 0,
    # so the masked dense compute below is mathematically identical to the CVMM sparse dispatch.
    gate_full = jnp.zeros_like(gates).at[jnp.arange(n)[:, None], topk_idx].set(topk_vals)
    # Expert FFN: relu(x @ keys[e]) @ values[e], weighted by gate and summed over experts.
    h = jax.nn.relu(jnp.einsum('nd,edh->neh', x, keys))       # [N, E, expert_size]
    y = jnp.einsum('neh,ehd->ned', h, values)                  # [N, E, d_model]
    out = jnp.einsum('ned,ne->nd', y, gate_full)               # [N, d_model]
    return out

if __name__ == "__main__":
    import jax
    _d = setup_inputs()
    print(jax.jit(kernel)(*tuple(_d.values())))

</pallas_src>

<mosaic_0001>
module attributes {stable_mosaic.version = 14 : i64} {
  func.func @_router_kernel(%arg0: memref<4096x1024xf32, #tpu.memory_space<vmem>>, %arg1: memref<1024x16xf32, #tpu.memory_space<vmem>>, %arg2: memref<4096x16xf32, #tpu.memory_space<vmem>>) attributes {dimension_semantics = [], scalar_prefetch = 0 : i64, scratch_operands = 0 : i64, tpu.core_type = #tpu.core_type<tc>} {
    %get3A = arith.constant 0 : index
    %get3A_0 = arith.constant 0 : index
    %get3A_1 = vector.load %arg0[%get3A, %get3A_0] : memref<4096x1024xf32, #tpu.memory_space<vmem>>, vector<4096x1024xf32>
    %get3A_2 = arith.constant 0 : index
    %get3A_3 = arith.constant 0 : index
    %get3A_4 = vector.load %arg1[%get3A_2, %get3A_3] : memref<1024x16xf32, #tpu.memory_space<vmem>>, vector<1024x16xf32>
    %dot_general3A = arith.constant dense<0.000000e+00> : vector<4096x16xf32>
    %dot_general3A_5 = tpu.matmul %get3A_1, %get3A_4, %dot_general3A {dimension_numbers = #tpu.dot_dimension_numbers<[1], [0], [0], [1], [0, 0, 1, 1], [], []>, transpose_lhs_hint = false} : vector<4096x1024xf32>, vector<1024x16xf32>, vector<4096x16xf32> -> vector<4096x16xf32>
    %logistic3A = arith.negf %dot_general3A_5 : vector<4096x16xf32>
    %logistic3A_6 = math.exp %logistic3A : vector<4096x16xf32>
    %logistic3A_7 = arith.constant 1.000000e+00 : f32
    %logistic3A_8 = vector.broadcast %logistic3A_7 : f32 to vector<4096x16xf32>
    %logistic3A_9 = arith.addf %logistic3A_8, %logistic3A_6 : vector<4096x16xf32>
    %logistic3A_10 = arith.divf %logistic3A_8, %logistic3A_9 : vector<4096x16xf32>
    %swap3A = arith.constant 0 : index
    %swap3A_11 = arith.constant 0 : index
    %swap3A_12 = vector.load %arg2[%swap3A, %swap3A_11] : memref<4096x16xf32, #tpu.memory_space<vmem>>, vector<4096x16xf32>
    tpu.vector_store %arg2[%swap3A, %swap3A_11], %logistic3A_10 {strides = array<i32>} : memref<4096x16xf32, #tpu.memory_space<vmem>>, vector<4096x16xf32>,
    return
  }
}

module attributes {stable_mosaic.version = 14 : i64} {
  func.func @_ffn_kernel(%arg0: i32, %arg1: memref<80xi32, #tpu.memory_space<smem>>, %arg2: memref<128x1024xf32, #tpu.memory_space<vmem>>, %arg3: memref<1x1x128xf32, #tpu.memory_space<vmem>>, %arg4: memref<1x1024x128xf32, #tpu.memory_space<vmem>>, %arg5: memref<1x128x1024xf32, #tpu.memory_space<vmem>>, %arg6: memref<128x1024xf32, #tpu.memory_space<vmem>>) attributes {dimension_semantics = [#tpu.dimension_semantics<arbitrary>], iteration_bounds = array<i64: 80>, scalar_prefetch = 1 : i64, scratch_operands = 0 : i64, tpu.core_type = #tpu.core_type<tc>, window_params = [{transform_indices = @transform_0, window_bounds = array<i64: 128, 1024>}, {transform_indices = @transform_1, window_bounds = array<i64: 1, 1, 128>}, {transform_indices = @transform_2, window_bounds = array<i64: 1, 1024, 128>}, {transform_indices = @transform_3, window_bounds = array<i64: 1, 128, 1024>}, {transform_indices = @transform_4, window_bounds = array<i64: 128, 1024>}]} {
    %get3A = arith.constant 0 : index
    %get3A_0 = arith.constant 0 : index
    %get3A_1 = vector.load %arg2[%get3A, %get3A_0] : memref<128x1024xf32, #tpu.memory_space<vmem>>, vector<128x1024xf32>
    %get3A_2 = arith.constant 0 : index
    %get3A_3 = arith.constant 0 : index
    %get3A_4 = arith.constant 0 : index
    %get3A_5 = vector.load %arg4[%get3A_2, %get3A_3, %get3A_4] : memref<1x1024x128xf32, #tpu.memory_space<vmem>>, vector<1x1024x128xf32>
    %get3A_6 = vector.shape_cast %get3A_5 : vector<1x1024x128xf32> to vector<1024x128xf32>
    %dot_general3A = arith.constant dense<0.000000e+00> : vector<128x128xf32>
    %dot_general3A_7 = tpu.matmul %get3A_1, %get3A_6, %dot_general3A {dimension_numbers = #tpu.dot_dimension_numbers<[1], [0], [0], [1], [0, 0, 1, 1], [], []>, transpose_lhs_hint = false} : vector<128x1024xf32>, vector<1024x128xf32>, vector<128x128xf32> -> vector<128x128xf32>
    %max3A = arith.constant 0.000000e+00 : f32
    %max3A_8 = vector.broadcast %max3A : f32 to vector<128x128xf32>
    %max3A_9 = arith.maximumf %dot_general3A_7, %max3A_8 : vector<128x128xf32>
    %get3A_10 = arith.constant 0 : index
    %get3A_11 = arith.constant 0 : index
    %get3A_12 = arith.constant 0 : index
    %get3A_13 = vector.load %arg3[%get3A_10, %get3A_11, %get3A_12] : memref<1x1x128xf32, #tpu.memory_space<vmem>>, vector<1x1x128xf32>
    %get3A_14 = vector.shape_cast %get3A_13 : vector<1x1x128xf32> to vector<128xf32>
    %broadcast_in_dim3A = vector.shape_cast %get3A_14 : vector<128xf32> to vector<128x1xf32>
    %mul3A = vector.broadcast %broadcast_in_dim3A : vector<128x1xf32> to vector<128x128xf32>
    %mul3A_15 = arith.mulf %max3A_9, %mul3A : vector<128x128xf32>
    %get3A_16 = arith.constant 0 : index
    %get3A_17 = arith.constant 0 : index
    %get3A_18 = arith.constant 0 : index
    %get3A_19 = vector.load %arg5[%get3A_16, %get3A_17, %get3A_18] : memref<1x128x1024xf32, #tpu.memory_space<vmem>>, vector<1x128x1024xf32>
    %get3A_20 = vector.shape_cast %get3A_19 : vector<1x128x1024xf32> to vector<128x1024xf32>
    %dot_general3A_21 = arith.constant dense<0.000000e+00> : vector<128x1024xf32>
    %dot_general3A_22 = tpu.matmul %mul3A_15, %get3A_20, %dot_general3A_21 {dimension_numbers = #tpu.dot_dimension_numbers<[1], [0], [0], [1], [0, 0, 1, 1], [], []>, transpose_lhs_hint = false} : vector<128x128xf32>, vector<128x1024xf32>, vector<128x1024xf32> -> vector<128x1024xf32>
    %swap3A = arith.constant 0 : index
    %swap3A_23 = arith.constant 0 : index
    %swap3A_24 = vector.load %arg6[%swap3A, %swap3A_23] : memref<128x1024xf32, #tpu.memory_space<vmem>>, vector<128x1024xf32>
    tpu.vector_store %arg6[%swap3A, %swap3A_23], %dot_general3A_22 {strides = array<i32>} : memref<128x1024xf32, #tpu.memory_space<vmem>>, vector<128x1024xf32>,
    return
  }
  func.func @transform_0(%arg0: i32, %arg1: memref<80xi32, #tpu.memory_space<smem>>) -> (i32, i32) {
    %c0_i32 = arith.constant 0 : i32
    %c0_i32_0 = arith.constant 0 : i32
    return %arg0, %c0_i32 : i32, i32
  }
  func.func @transform_1(%arg0: i32, %arg1: memref<80xi32, #tpu.memory_space<smem>>) -> (i32, i32, i32) {
    %c0_i32 = arith.constant 0 : i32
    %c0_i32_0 = arith.constant 0 : i32
    %c0_i32_1 = arith.constant 0 : i32
    return %arg0, %c0_i32, %c0_i32_0 : i32, i32, i32
  }
  func.func @transform_2(%arg0: i32, %arg1: memref<80xi32, #tpu.memory_space<smem>>) -> (i32, i32, i32) {
    %get3A = arith.index_cast %arg0 : i32 to index
    %get3A_0 = memref.load %arg1[%get3A] : memref<80xi32, #tpu.memory_space<smem>>
    %c0_i32 = arith.constant 0 : i32
    %c0_i32_1 = arith.constant 0 : i32
    %c0_i32_2 = arith.constant 0 : i32
    return %get3A_0, %c0_i32, %c0_i32_1 : i32, i32, i32
  }
  func.func @transform_3(%arg0: i32, %arg1: memref<80xi32, #tpu.memory_space<smem>>) -> (i32, i32, i32) {
    %get3A = arith.index_cast %arg0 : i32 to index
    %get3A_0 = memref.load %arg1[%get3A] : memref<80xi32, #tpu.memory_space<smem>>
    %c0_i32 = arith.constant 0 : i32
    %c0_i32_1 = arith.constant 0 : i32
    %c0_i32_2 = arith.constant 0 : i32
    return %get3A_0, %c0_i32, %c0_i32_1 : i32, i32, i32
  }
  func.func @transform_4(%arg0: i32, %arg1: memref<80xi32, #tpu.memory_space<smem>>) -> (i32, i32) {
    %c0_i32 = arith.constant 0 : i32
    %c0_i32_0 = arith.constant 0 : i32
    return %arg0, %c0_i32 : i32, i32
  }
}

</mosaic_0001>

<sc_bundles>
// kernel: gather_offload_async_start.1
scs
__scs_entry_jumppad:
0x0: {  	(pc) =	sbr.rel $0x88, $3  }
0x1: {  	(tag) =	ssettag $0x0;
	lr =	simm.s32 $0x1  }
0x2: {  	[smem:$0x3F9D] =	sst lr;
	_ =	strace $0xD0000000  }
0x3: {  	_ = 	snop  }
0x4: {  	_ = 	snop  }
0x5: {  	_ = 	snop  }
0x6: {  	_ = 	snop  }
0x7: {  	_ = 	snop  }
__scs_overlays_trampoline_lowered:
0x8: {  	[smem:$0x3FAC] =	sst s0  }
0x9: {  	[smem:$0x3FAD] =	sst s1  }
0xa: {  	[smem:$0x3FAE] =	sst s2  }
0xb: {  	[smem:$0x3FAF] =	sst s3  }
0xc: {  	[smem:$0x3FB0] =	sst s4  }
0xd: {  	[smem:$0x3FB1] =	sst s5  }
0xe: {  	[smem:$0x3FB2] =	sst s6  }
0xf: {  	[smem:$0x3FB3] =	sst s7  }
0x10: {  	[smem:$0x3FB4] =	sst s8  }
0x11: {  	[smem:$0x3FB5] =	sst s9;
	s0 =	simm.s32 @!p0 $0x0  }
0x12: {  	s1 =	sld [smem:$0x3F9B];
	s0 =	simm.s32 @p0 $0x1  }
0x13: {  	[smem:$0x3FB6] =	sst s0;
	s0 =	simm.s32 @!p1 $0x0  }
0x14: {  	s2 =	sld [smem:$0x3F9A];
	s0 =	simm.s32 @p1 $0x1  }
0x15: {  	[smem:$0x3FB7] =	sst s0;
	s0 =	simm.s32 @!p2 $0x0  }
0x16: {  	s3 =	sld [smem:$0x3FDB];
	s0 =	simm.s32 @p2 $0x1  }
0x17: {  	s4 =	simm.s32 $0x1BF5;
	[smem:$0x3FB9] =	sst s0  }
0x18: {  	s0 =	sld [smem:$0x3F9C];
	_ =	swait.ge [sflag:s4], $0x0  }
0x19: {  	s7 =	sld [smem:$0x3F9D]  }
0x1a: {  	s8 =	sadd.s32 $0xFFFFE003, lr  }
0x1b: {  	s9 =	sadd.s32 $0xFFFFFEF7, lr;
	s5 =	simm.s32 $0xFFFFFFFF;
	p2 =	slt.u32 s8, $0xFFFFF086  }
0x1c: {  	p1 =	slt.u32 s9, $0xF7A;
	s5 =	simm.s32 @!p2 $0x0  }
0x1d: {  	s5 =	simm.s32 @p1 $0x1;
	p0 =	seq.s32 s7, s2  }
0x1e: {  	s7 =	smul.u32 @!p0 $0xF7A, s2;
	p2 =	seq.s32 @!p0 s5, $0x0  }
0x1f: {  	s9 =	smul.u32 $0xF7A, s1;
	s8 =	simm.s32 @!p0 $0x1BF5;
	p2 =	por !p2, p0  }
0x20: {  	[sflag:s8] =	ssyncset.s32 @!p0 $0xFFFFF086;
	s6 =	sadd.s32 @!p0 s3, s7;
	s7 =	simm.s32 @!p0 $0x108  }
0x21: {  	s3 =	sadd.s32 s3, s9;
	s6 =	sadd.s32 @!p0 $0x88, s6;
	s7 =	simm.s32 @p2 $0x1082  }
0x22: {  	[simem:s7], [sflag:s8] =	dma.local @!p0 [hbm:s6], $0xF7A  }
0x23: {  	s9 =	sor.u32 $0xD0000000, s2;
	s6 =	simm.s32 $0x108;
	_ =	swait.ge @!p0 [sflag:s8], $0x0  }
0x24: {  	s3 =	sadd.s32 $0x88, s3;
	s6 =	simm.s32 @!p1 $0x1082;
	[sflag:s4] =	ssyncset.s32 $0xFFFFF086  }
0x25: {  	[simem:s6], [sflag:s4] =	dma.local [hbm:s3], $0xF7A  }
0x26: {  	[smem:$0x3F9D] =	sst s1;
	(tag) =	ssettag s2;
	_ =	strace s9  }
0x27: {  	s1 =	sld [smem:$0x3FAD]  }
0x28: {  	s2 =	sld [smem:$0x3FAE]  }
0x29: {  	s4 =	sld [smem:$0x3FB0]  }
0x2a: {  	p0 =	seq.s32 s5, $0x0;
	s5 =	sld [smem:$0x3FB1]  }
0x2b: {  	s6 =	sld [smem:$0x3FB2]  }
0x2c: {  	s7 =	sld [smem:$0x3FB3]  }
0x2d: {  	s3 =	simm.s32 $0x108;
	s8 =	sld [smem:$0x3FB4]  }
0x2e: {  	s3 =	simm.s32 @!p0 $0x1082;
	s9 =	sld [smem:$0x3FB5]  }
0x2f: {  	lr =	sadd.s32 s0, s3;
	s0 =	sld [smem:$0x3FAC]  }
0x30: {  	s3 =	sld [smem:$0x3FAF]  }
0x31: {  	[smem:$0x3FB8] =	sst s10  }
0x32: {  	s10 =	sld [smem:$0x3FB6];
	_ =	sdelay $0x3  }
0x33: {  	p0 =	seq.s32 s10, $0x1;
	s10 =	sld [smem:$0x3FB8];
	_ =	sdelay $0x3  }
0x34: {  	[smem:$0x3FB8] =	sst s10  }
0x35: {  	s10 =	sld [smem:$0x3FB7];
	_ =	sdelay $0x3  }
0x36: {  	p1 =	seq.s32 s10, $0x1;
	s10 =	sld [smem:$0x3FB8];
	_ =	sdelay $0x3  }
0x37: {  	[smem:$0x3FB8] =	sst s10  }
0x38: {  	s10 =	sld [smem:$0x3FB9]  }
0x39: {  	_ = 	snop;
	(pc) =	sbr.ind lr, $3  }
0x3a: {  	_ = 	snop  }
0x3b: {  	_ = 	snop  }
0x3c: {  	p2 =	seq.s32 s10, $0x1;
	s10 =	sld [smem:$0x3FB8]  }
0x3d: {  	_ =	shalt  }
0x3e: {  	_ =	shalt  }
0x3f: {  	_ =	shalt  }
0x40: {  	_ =	shalt  }
0x41: {  	_ =	shalt  }
0x42: {  	_ =	shalt  }
0x43: {  	_ =	shalt  }
0x44: {  	_ =	shalt  }
0x45: {  	_ =	shalt  }
0x46: {  	_ =	shalt  }
0x47: {  	_ =	shalt  }
0x48: {  	_ =	shalt  }
0x49: {  	_ =	shalt  }
0x4a: {  	_ =	shalt  }
0x4b: {  	_ =	shalt  }
0x4c: {  	_ =	shalt  }
0x4d: {  	_ =	shalt  }
0x4e: {  	_ =	shalt  }
0x4f: {  	_ =	shalt  }
0x50: {  	_ =	shalt  }
0x51: {  	_ =	shalt  }
0x52: {  	_ =	shalt  }
0x53: {  	_ =	shalt  }
0x54: {  	_ =	shalt  }
0x55: {  	_ =	shalt  }
0x56: {  	_ =	shalt  }
0x57: {  	_ =	shalt  }
0x58: {  	_ =	shalt  }
0x59: {  	_ =	shalt  }
0x5a: {  	_ =	shalt  }
0x5b: {  	_ =	shalt  }
0x5c: {  	_ =	shalt  }
0x5d: {  	_ =	shalt  }
0x5e: {  	_ =	shalt  }
0x5f: {  	_ =	shalt  }
0x60: {  	_ =	shalt  }
0x61: {  	_ =	shalt  }
0x62: {  	_ =	shalt  }
0x63: {  	_ =	shalt  }
0x64: {  	_ =	shalt  }
0x65: {  	_ =	shalt  }
0x66: {  	_ =	shalt  }
0x67: {  	_ =	shalt  }
0x68: {  	_ =	shalt  }
0x69: {  	_ =	shalt  }
0x6a: {  	_ =	shalt  }
0x6b: {  	_ =	shalt  }
0x6c: {  	_ =	shalt  }
0x6d: {  	_ =	shalt  }
0x6e: {  	_ =	shalt  }
0x6f: {  	_ =	shalt  }
0x70: {  	_ =	shalt  }
0x71: {  	_ =	shalt  }
0x72: {  	_ =	shalt  }
0x73: {  	_ =	shalt  }
0x74: {  	_ =	shalt  }
0x75: {  	_ =	shalt  }
0x76: {  	_ =	shalt  }
0x77: {  	_ =	shalt  }
0x78: {  	_ =	shalt  }
0x79: {  	_ =	shalt  }
0x7a: {  	_ =	shalt  }
0x7b: {  	_ =	shalt  }
0x7c: {  	_ =	shalt  }
0x7d: {  	_ =	shalt  }
0x7e: {  	_ =	shalt  }
0x7f: {  	_ =	shalt  }
0x80: {  	_ =	shalt  }
0x81: {  	_ =	shalt  }
0x82: {  	_ =	shalt  }
0x83: {  	_ =	shalt  }
0x84: {  	_ =	shalt  }
0x85: {  	_ =	shalt  }
0x86: {  	_ =	shalt  }
0x87: {  	_ =	shalt  }
.Lfunc_end0:
.L_simem_size_0:
called_computation.1_lowered:
.L_overlay_start_0:
0x88: {  	s2 =	sld [smem:$0x3FD9]  }
0x89: {  	s3 =	sld [smem:$0x3FFE];
	_ =	sdelay $0x1  }
0x8a: {  	s1 =	srdreg.scid  }
0x8b: {  	s0 =	sand.u32 $0x1, s1  }
0x8c: {  	s17 =	sshll.u32 s0, $0xA;
	s2 =	sadd.s32 s3, s2  }
0x8d: {  	s2 =	sadd.s32 s2, s17  }
0x8e: {  	[smem:$0x3FC4] =	sst s2  }
0x8f: {  	_ = 	snop  }
0x90: {  	s2 =	sld [smem:$0x3FD0];
	(tm) =	ssettm $0x1  }
0x91: {  	s18 =	sld [smem:$0x3FFB];
	_ =	sdelay $0x3  }
0x92: {  	_ =	strace s18  }
0x93: {  	s3 =	sld [smem:$0x3FFC];
	_ =	sdelay $0x3  }
0x94: {  	_ =	strace s3  }
0x95: {  	s3 =	sld [smem:$0x3FFD];
	_ =	sdelay $0x3  }
0x96: {  	_ =	strace s3  }
0x97: {  	_ =	strace $0x8FFFFFFF  }
0x98: {  	s19 =	sld [smem:$0x3FDB];
	_ =	sdelay $0x1  }
0x99: {  	s4 =	simm.s32 $_scs_section_size  }
0x9a: {  	s5 =	simm.s32 $_size__tile_overlayer_lowered;
	s6 =	simm.s32 $_tile_overlayer_lowered  }
0x9b: {  	s22 =	simm.s32 $0x1BFF;
	s21 =	sshll.u32 s6, $0x1;
	s3 =	sadd.s32 s4, s19  }
0x9c: {  	s7 =	simm.s32 $0x0;
	s20 =	sshll.u32 s5, $0x1;
	s5 =	sadd.s32 s21, s3  }
0x9d: {  	[timem:s7], [sflag:s22] =	dma.local [hbm:s5], s20  }
0x9e: {  	_ =	swait.ge [sflag:s22], s20  }
0x9f: {  	s4 =	ssub.s32 $0x0, s20;
	[sflag:s22] =	ssyncset.done $0x0  }
0xa0: {  	[sflag:s22] =	ssyncadd.s32 s4;
	_ =	sdelay $0x1  }
0xa1: {  	s23 =	simm.s32 $0x1B8B  }
0xa2: {  	_ =	swait.ge [sflag:s23], $0x1  }
0xa3: {  	[sflag:s23] =	ssyncset.done $0x0  }
0xa4: {  	s25 =	simm.s32 $0x1B8E;
	s24 =	sld [smem:$0x3FFE];
	[sflag:s23] =	ssyncadd.s32 $0xFFFFFFFF  }
0xa5: {  	s26 =	simm.s32 $execute0_lowered;
	[smem:$0x3FD2] =	sst s25  }
0xa6: {  	s5 =	sshll.u32 s26, $0x1;
	_ =	strace $0x80000046;
	[dreg:$0x1] =	wrdreg $0xFFFFFFFF  }
0xa7: {  	s28 =	simm.s32 $_size_execute0_lowered;
	s3 =	sadd.s32 s3, s5;
	[dreg:$0x0] =	wrdreg $0x0  }
0xa8: {  	s5 =	sshll.u32 s28, $0x1;
	[dreg:$0x2] =	wrdreg s3  }
0xa9: {  	[dreg:$0x3] =	wrdreg s5  }
0xaa: {  	[dreg:$0x4] =	wrdreg $0xC0  }
0xab: {  	_ =	task [dreg:s7], $0x5FFFF  }
0xac: {  	[dreg:$0x1] =	wrdreg $0xFFFFFFFF  }
0xad: {  	[dreg:$0x0] =	wrdreg $0x60  }
0xae: {  	[dreg:$0x2] =	wrdreg s2  }
0xaf: {  	[dreg:$0x3] =	wrdreg s24  }
0xb0: {  	[dreg:$0x4] =	wrdreg $0x9  }
0xb1: {  	_ =	task.clear_ibuf [dreg:s7], $0x5FFFF;
	_ =	strace $0x90000046  }
0xb2: {  	s29 =	simm.s32 $0x9;
	_ =	strace $0x80000048  }
0xb3: {  	_ =	swait.ge [sflag:s29], $0x1  }
0xb4: {  	[sflag:s29] =	ssyncadd.s32 $0xFFFFFFFF  }
0xb5: {  	_ =	strace $0x90000048  }
0xb6: {  	_ =	sfence  }
0xb7: {  	s30 =	sld [smem:$0x0];
	_ =	sdelay $0x2  }
0xb8: {  	s31 =	sshll.u32 s1, $0xD;
	s1 =	sshrl.u32 s1, $0x2  }
0xb9: {  	s3 =	sand.u32 $0x4000, s31;
	s1 =	sadd.s32 s1, s30  }
0xba: {  	s0 =	sor.u32 s3, s0;
	s1 =	sshll.u32 s1, $0x11  }
0xbb: {  	s0 =	sor.u32 s1, s0  }
0xbc: {  	s0 =	sadd.s32 $0x8F2B, s0  }
0xbd: {  	[sflag:s0] =	ssyncadd.remote.s32 $0x1  }
0xbe: {  	_ =	sfence.sel $0xFFFF  }
0xbf: {  	[dreg:$0x0] =	wrdreg $0xFFFFFFFF;
	(pc) =	sbr.abs _section_cstart, $3  }
0xc0: {  	[dreg:$0x1] =	wrdreg $0xFFFFFFFF  }
0xc1: {  	_ =	task.clear_ibuf [dreg:s7], $0x2FFFF;
	_ =	strace $0x9FFFFFFF  }
0xc2: {  	(tm) =	ssettm $0x7FFFFFFF  }
0xc3: {  	_ =	shalt  }
tec
execute0_lowered:
.L_overlay_start_1:
0x0: {  	(tag) =	ssettag $0x1  }
0x1: {  	s1 =	srdreg.scid;
	s2 =	rddreg [dreg:$0x0]  }
0x2: {  	s0 =	stileid.u32;
	s5 =	rddreg [dreg:$0x1];
	s6 =	simm.s32 $0x1  }
0x3: {  	s9 =	simm.s32 $0x1;
	s10 =	simm.s32 $0x3;
	s1 =	sshll.u32 s1, $0x7  }
0x4: {  	s13 =	simm.s32 $0x0;
	s3 =	sshll.u32 s0, $0x8;
	s4 =	sand.u32 $0x80, s1  }
0x5: {  	s12 =	simm.s32 $0x0;
	s1 =	rddreg [dreg:$0x2];
	s3 =	sor.u32 s3, s4  }
0x6: {  	_ =	strace $0x80000047;
	s4 =	sadd.s32 $0x200, s5;
	s8 =	ssub.s32 $0x2000, s3  }
.Ltmp0:
0x7: {  	s5 =	sadd.s32 $0x600, s5;
	s7 =	sand.u32 $0xF80, s8;
	(pc) =	sbr.rel .LBB2_1-.Ltmp0, $4  }
0x8: {  	[sflag:s6] =	ssyncpa.u1 $0x0;
	s11 =	smov.u32 s3;
	p0 =	sne.s32 s7, $0x0  }
0x9: {  	s8 =	sshrl.u32 s8, $0xC;
	s7 =	simm.s32 $0x2;
	s9 =	simm.s32 @!p0 $0x0  }
0xa: {  	[sflag:s7] =	ssyncpa.u1 $0x0;
	p0 =	por $0x0, $0x0;
	s8 =	sadd.s32 s9, s8  }
0xb: {  	vm0 =	vmmov $0xffff;
	[sflag:s10] =	ssyncpa.u1 $0x0;
	s10 =	simm.s32 $0x0;
	s9 =	sadd.s32 $0x1, s8  }
.LBB2_4:
0xc: {  	vm1 =	veq.s32 v0, $0x80000000;
	v63 =	vand.u32 $0x1FFF, v0;
	v2 =	vand.u32 $0xF, v2  }
0xd: {  	v0 =	vsel vm1, $0xFFFFFFFF, v63;
	v2 =	vsel vm1, $0xFFFFFFFF, v2  }
0xe: {  	v3 =	vshll.u32 v2, $0xD;
	v4 =	vshll.u32 v0, $0x3  }
0xf: {  	v2 =	vshll.u32 v2, $0x7;
	v3 =	vand.u32 $0xFFFF0000, v3;
	v4 =	vand.u32 $0xFFFFFC00, v4  }
0x10: {  	v2 =	vand.u32 $0x380, v2;
	v3 =	vadd.s32 v4, v3  }
0x11: {  	v0 =	vand.u32 $0x7F, v0;
	v2 =	vor.u32 v2, v3  }
0x12: {  	v0 =	vor.u32 v0, v2;
	_ =	sdelay $0x1  }
0x13: {  	(ifvalue) =	ssetifvalue $0x7FFFFFFF;
	s14 =	sadd.s32 $0x10, s14  }
0x14: {  	[tilespmem:s14], [sflag:$0x1] =	stream.indirect_vreg.gather [hbm4b:s2+s10], $0x1, v1, vm0, $0x4038;
	[tilespmem:$0x200] =	vst v63  }
0x15: {  	(ifvalue) =	ssetifvalue $0x7FFFFFFF;
	s14 =	sadd.s32 $0x10, s14  }
0x16: {  	[tilespmem:s14], [sflag:$0x1] =	stream.indirect_vreg.gather [hbm4b:s2+s10], $0x1, v0, vm0, $0x4038;
	[tilespmem:$0x200] =	vst v63  }
0x17: {  	_ =	swait.ge [sflag:s6], $0x80  }
0x18: {  	s30 =	sshrl.u32 s13, $0x3;
	[sflag:s6] =	ssyncset.done $0x0  }
0x19: {  	s31 =	sand.u32 $0x7, s13;
	s14 =	sadd.s32 s5, s30;
	[sflag:s6] =	ssyncadd.s32 $0xFFFFFF80  }
0x1a: {  	[hbm4b:s14+s31] =	stream.linear.scatter [tilespmem:s15], [sflag:$0x3], $0x80, $0x38;
	[tilespmem:$0x200] =	vst v63  }
.LBB2_5:
0x1b: {  	s15 =	sadd.s32 $0x1000, s11  }
0x1c: {  	p2 =	sgt.s32 s15, $0x1FFF  }
0x1d: {  	s15 =	smov.u32 @p2 s3;
	p2 =	sne.s32 s12, s9  }
.Ltmp1:
0x1e: {  	p1 =	slt.u32 s12, $0x2;
	(pc) =	sbr.rel @!p2 .LBB2_6-.Ltmp1, $4  }
0x1f: {  	s14 =	simm.s32 @!p1 $0x3  }
0x20: {  	s16 =	sadd.s32 $0x1, s12;
	_ =	swait.ge @!p1 [sflag:s14], $0x80  }
0x21: {  	s13 =	smov.u32 s11;
	p0 =	por !p0, !p0;
	[sflag:s14] =	ssyncset.done @!p1 $0x0  }
0x22: {  	s12 =	smov.u32 s16;
	s11 =	smov.u32 s15;
	[sflag:s14] =	ssyncadd.s32 @!p1 $0xFFFFFF80  }
.LBB2_1:
0x23: {  	p1 =	sge.u32 s12, s8  }
0x24: {  	s14 =	sxor.u32 @!p1 $0xFFFFFFFF, s12  }
0x25: {  	s31 =	sadd.s32 $0xFFFFFFFF, s12;
	s15 =	sshrl.u32 @!p1 s11, $0x3;
	s14 =	sshll.u32 @!p1 s14, $0x7  }
0x26: {  	s16 =	sand.u32 @!p1 $0x7, s11;
	s15 =	sadd.s32 @!p1 s4, s15;
	s14 =	sand.u32 @!p1 $0x80, s14  }
0x27: {  	[tilespmem:s14], [sflag:$0x2] =	stream.linear.gather @!p1 [hbm4b:s15+s16], $0x80, $0x38;
	[tilespmem:$0x200] =	vst v63  }
0x28: {  	p1 =	sge.u32 s31, s8  }
.Ltmp2:
0x29: {  	_ = 	snop;
	(pc) =	sbr.rel @p1 .LBB2_5-.Ltmp2, $1  }
0x2a: {  	_ =	sdelay $0x3  }
0x2b: {  	s14 =	simm.s32 $0x1  }
0x2c: {  	_ =	swait.ge [sflag:s7], $0x80;
	s14 =	simm.s32 @!p0 $0x0  }
0x2d: {  	[sflag:s7] =	ssyncset.done $0x0;
	s14 =	sshll.u32 s14, $0x7  }
0x2e: {  	[sflag:s7] =	ssyncadd.s32 $0xFFFFFF80;
	(ifvalue) =	ssetifvalue $0x7FFFFFFF;
	v0 =	vld.msk [tilespmem:s14+$0x0 ss:$0x1], $0xffff;
	_ =	sdelay $0x4  }
0x2f: {  	s15 =	sadd.s32 $0x10, s14;
	v1 =	vshrl.u32 v0, $0xD  }
0x30: {  	v2 =	vld.msk [tilespmem:s15+$0x0 ss:$0x1], $0xffff;
	vm1 =	veq.s32 v0, $0x80000000;
	v0 =	vand.u32 $0x1FFF, v0;
	v1 =	vand.u32 $0xF, v1  }
0x31: {  	v0 =	vsel vm1, $0xFFFFFFFF, v0;
	v1 =	vsel vm1, $0xFFFFFFFF, v1  }
0x32: {  	v4 =	vshll.u32 v0, $0x3;
	v3 =	vshll.u32 v1, $0xD  }
0x33: {  	v4 =	vand.u32 $0xFFFFFC00, v4;
	v1 =	vshll.u32 v1, $0x7;
	v3 =	vand.u32 $0xFFFF0000, v3  }
0x34: {  	v0 =	vand.u32 $0x7F, v0;
	v1 =	vand.u32 $0x380, v1;
	v3 =	vadd.s32 v4, v3  }
0x35: {  	vm1 =	veq.s32 v2, $0x80000000;
	v1 =	vor.u32 v1, v3;
	v3 =	vshrl.u32 v2, $0xD  }
0x36: {  	s17 =	sadd.s32 $0x10, s15;
	v2 =	vand.u32 $0x1FFF, v2;
	v1 =	vor.u32 v0, v1;
	v3 =	vand.u32 $0xF, v3  }
0x37: {  	v0 =	vld.msk [tilespmem:s17+$0x0 ss:$0x1], $0xffff;
	v2 =	vsel vm1, $0xFFFFFFFF, v2;
	v3 =	vsel vm1, $0xFFFFFFFF, v3  }
0x38: {  	v5 =	vshll.u32 v2, $0x3;
	v63 =	vshll.u32 v3, $0xD  }
0x39: {  	s31 =	sshll.u32 s12, $0x7;
	v5 =	vand.u32 $0xFFFFFC00, v5;
	v3 =	vshll.u32 v3, $0x7;
	v4 =	vand.u32 $0xFFFF0000, v63  }
0x3a: {  	s14 =	sor.u32 $0x100, s14;
	s15 =	sand.u32 $0x80, s31;
	(ifvalue) =	ssetifvalue $0x7FFFFFFF;
	v3 =	vand.u32 $0x380, v3;
	v4 =	vadd.s32 v5, v4  }
0x3b: {  	[tilespmem:s14], [sflag:$0x1] =	stream.indirect_vreg.gather [hbm4b:s2+s10], $0x1, v1, vm0, $0x4038;
	v1 =	vand.u32 $0x7F, v2;
	v3 =	vor.u32 v3, v4;
	[tilespmem:$0x200] =	vst v63  }
0x3c: {  	s16 =	simm.s32 $0x20;
	s15 =	sor.u32 $0x100, s15;
	s17 =	sadd.s32 $0x10, s17;
	v2 =	vshrl.u32 v0, $0xD;
	v1 =	vor.u32 v1, v3  }
.LBB2_3:
0x3d: {  	s16 =	sadd.s32 $0x10, s16;
	vm1 =	veq.s32 v0, $0x80000000;
	v3 =	vand.u32 $0x1FFF, v0;
	v0 =	vld.msk [tilespmem:s17+$0x0 ss:$0x1], $0xffff;
	v2 =	vand.u32 $0xF, v2  }
0x3e: {  	p1 =	slt.u32 s16, $0x70;
	v3 =	vsel vm1, $0xFFFFFFFF, v3;
	v2 =	vsel vm1, $0xFFFFFFFF, v2  }
.Ltmp3:
0x3f: {  	v4 =	vshll.u32 v2, $0xD;
	v5 =	vshll.u32 v3, $0x3;
	(pc) =	sbr.rel @p1 .LBB2_3-.Ltmp3, $4  }
0x40: {  	s14 =	sadd.s32 $0x10, s14;
	v2 =	vshll.u32 v2, $0x7;
	v4 =	vand.u32 $0xFFFF0000, v4;
	v5 =	vand.u32 $0xFFFFFC00, v5;
	(ifvalue) =	ssetifvalue $0x7FFFFFFF  }
0x41: {  	v2 =	vand.u32 $0x380, v2;
	v4 =	vadd.s32 v5, v4;
	[tilespmem:s14], [sflag:$0x1] =	stream.indirect_vreg.gather [hbm4b:s2+s10], $0x1, v1, vm0, $0x4038;
	[tilespmem:$0x200] =	vst v63  }
0x42: {  	v1 =	vand.u32 $0x7F, v3;
	v3 =	vor.u32 v2, v4  }
0x43: {  	s17 =	sadd.s32 $0x10, s17;
	v2 =	vshrl.u32 v0, $0xD;
	v1 =	vor.u32 v1, v3  }
.Ltmp4:
0x44: {  	_ = 	snop;
	(pc) =	sbr.rel .LBB2_4-.Ltmp4, $1  }
0x45: {  	_ =	sdelay $0x3  }
.LBB2_6:
0x46: {  	_ =	sfence.sel $0x180000  }
0x47: {  	s2 =	simm.s32 $0x2;
	[bflag:$0x0] =	sbarrier.arrive $0xFFFF  }
0x48: {  	s30 =	simm.s32 $0x3;
	[sflag:s2] =	ssyncpa.u1 $0x1  }
0x49: {  	s31 =	simm.s32 $0x1;
	[sflag:s30] =	ssyncpa.u1 $0x1  }
0x4a: {  	[sflag:s31] =	ssyncpa.u1 $0x1  }
0x4b: {  	p0 =	sne.s32 s0, $0x0;
	_ =	strace $0x90000047  }
0x4c: {  	s0 =	sadd.s32 @!p0 $0x100000, s1;
	[bflag:$0x2] =	sbarrier.arrive $0xFFFF  }
0x4d: {  	[sflag:s0] =	ssyncadd.tile.s32 @!p0 $0x1;
	_ =	shalt  }
.Lfunc_end2:
_tile_overlayer_lowered:
.L_overlay_start_2:
0x4e: {  	(tag) =	ssettag $0x2  }
0x4f: {  	s0 =	rddreg [dreg:$0x0];
	s2 =	stileid.u32  }
0x50: {  	s1 =	rddreg [dreg:$0x1];
	p0 =	sne.s32 s2, $0x0  }
0x51: {  	s3 =	rddreg [dreg:$0x2];
	[bflag:$0x3] =	sbarrier.arrive $0xFFFF;
	s2 =	simm.s32 @!p0 $0x1C01  }
0x52: {  	[timem:s3], [sflag:s2] =	dma.local @!p0 [hbm:s0], s1  }
0x53: {  	s0 =	simm.s32 @!p0 $0x1  }
0x54: {  	_ =	swait.ge @!p0 [sflag:s0], s1  }
0x55: {  	s1 =	ssub.s32 @!p0 $0x0, s1;
	[sflag:s0] =	ssyncset.done @!p0 $0x0  }
0x56: {  	[sflag:s0] =	ssyncadd.s32 @!p0 s1  }
0x57: {  	[bflag:$0x3] =	sbarrier.arrive $0xFFFF  }
0x58: {  	_ =	shalt  }

// kernel: gather_offload_async_start
scs
__scs_entry_jumppad:
0x0: {  	(pc) =	sbr.rel $0x88, $3  }
0x1: {  	(tag) =	ssettag $0x0;
	lr =	simm.s32 $0x1  }
0x2: {  	[smem:$0x3F9D] =	sst lr;
	_ =	strace $0xD0000000  }
0x3: {  	_ = 	snop  }
0x4: {  	_ = 	snop  }
0x5: {  	_ = 	snop  }
0x6: {  	_ = 	snop  }
0x7: {  	_ = 	snop  }
__scs_overlays_trampoline_lowered:
0x8: {  	[smem:$0x3FAC] =	sst s0  }
0x9: {  	[smem:$0x3FAD] =	sst s1  }
0xa: {  	[smem:$0x3FAE] =	sst s2  }
0xb: {  	[smem:$0x3FAF] =	sst s3  }
0xc: {  	[smem:$0x3FB0] =	sst s4  }
0xd: {  	[smem:$0x3FB1] =	sst s5  }
0xe: {  	[smem:$0x3FB2] =	sst s6  }
0xf: {  	[smem:$0x3FB3] =	sst s7  }
0x10: {  	[smem:$0x3FB4] =	sst s8  }
0x11: {  	[smem:$0x3FB5] =	sst s9;
	s0 =	simm.s32 @!p0 $0x0  }
0x12: {  	s1 =	sld [smem:$0x3F9B];
	s0 =	simm.s32 @p0 $0x1  }
0x13: {  	[smem:$0x3FB6] =	sst s0;
	s0 =	simm.s32 @!p1 $0x0  }
0x14: {  	s2 =	sld [smem:$0x3F9A];
	s0 =	simm.s32 @p1 $0x1  }
0x15: {  	[smem:$0x3FB7] =	sst s0;
	s0 =	simm.s32 @!p2 $0x0  }
0x16: {  	s3 =	sld [smem:$0x3FDB];
	s0 =	simm.s32 @p2 $0x1  }
0x17: {  	s4 =	simm.s32 $0x1BF5;
	[smem:$0x3FB9] =	sst s0  }
0x18: {  	s0 =	sld [smem:$0x3F9C];
	_ =	swait.ge [sflag:s4], $0x0  }
0x19: {  	s7 =	sld [smem:$0x3F9D]  }
0x1a: {  	s8 =	sadd.s32 $0xFFFFE003, lr  }
0x1b: {  	s9 =	sadd.s32 $0xFFFFFEF7, lr;
	s5 =	simm.s32 $0xFFFFFFFF;
	p2 =	slt.u32 s8, $0xFFFFF086  }
0x1c: {  	p1 =	slt.u32 s9, $0xF7A;
	s5 =	simm.s32 @!p2 $0x0  }
0x1d: {  	s5 =	simm.s32 @p1 $0x1;
	p0 =	seq.s32 s7, s2  }
0x1e: {  	s7 =	smul.u32 @!p0 $0xF7A, s2;
	p2 =	seq.s32 @!p0 s5, $0x0  }
0x1f: {  	s9 =	smul.u32 $0xF7A, s1;
	s8 =	simm.s32 @!p0 $0x1BF5;
	p2 =	por !p2, p0  }
0x20: {  	[sflag:s8] =	ssyncset.s32 @!p0 $0xFFFFF086;
	s6 =	sadd.s32 @!p0 s3, s7;
	s7 =	simm.s32 @!p0 $0x108  }
0x21: {  	s3 =	sadd.s32 s3, s9;
	s6 =	sadd.s32 @!p0 $0x88, s6;
	s7 =	simm.s32 @p2 $0x1082  }
0x22: {  	[simem:s7], [sflag:s8] =	dma.local @!p0 [hbm:s6], $0xF7A  }
0x23: {  	s9 =	sor.u32 $0xD0000000, s2;
	s6 =	simm.s32 $0x108;
	_ =	swait.ge @!p0 [sflag:s8], $0x0  }
0x24: {  	s3 =	sadd.s32 $0x88, s3;
	s6 =	simm.s32 @!p1 $0x1082;
	[sflag:s4] =	ssyncset.s32 $0xFFFFF086  }
0x25: {  	[simem:s6], [sflag:s4] =	dma.local [hbm:s3], $0xF7A  }
0x26: {  	[smem:$0x3F9D] =	sst s1;
	(tag) =	ssettag s2;
	_ =	strace s9  }
0x27: {  	s1 =	sld [smem:$0x3FAD]  }
0x28: {  	s2 =	sld [smem:$0x3FAE]  }
0x29: {  	s4 =	sld [smem:$0x3FB0]  }
0x2a: {  	p0 =	seq.s32 s5, $0x0;
	s5 =	sld [smem:$0x3FB1]  }
0x2b: {  	s6 =	sld [smem:$0x3FB2]  }
0x2c: {  	s7 =	sld [smem:$0x3FB3]  }
0x2d: {  	s3 =	simm.s32 $0x108;
	s8 =	sld [smem:$0x3FB4]  }
0x2e: {  	s3 =	simm.s32 @!p0 $0x1082;
	s9 =	sld [smem:$0x3FB5]  }
0x2f: {  	lr =	sadd.s32 s0, s3;
	s0 =	sld [smem:$0x3FAC]  }
0x30: {  	s3 =	sld [smem:$0x3FAF]  }
0x31: {  	[smem:$0x3FB8] =	sst s10  }
0x32: {  	s10 =	sld [smem:$0x3FB6];
	_ =	sdelay $0x3  }
0x33: {  	p0 =	seq.s32 s10, $0x1;
	s10 =	sld [smem:$0x3FB8];
	_ =	sdelay $0x3  }
0x34: {  	[smem:$0x3FB8] =	sst s10  }
0x35: {  	s10 =	sld [smem:$0x3FB7];
	_ =	sdelay $0x3  }
0x36: {  	p1 =	seq.s32 s10, $0x1;
	s10 =	sld [smem:$0x3FB8];
	_ =	sdelay $0x3  }
0x37: {  	[smem:$0x3FB8] =	sst s10  }
0x38: {  	s10 =	sld [smem:$0x3FB9]  }
0x39: {  	_ = 	snop;
	(pc) =	sbr.ind lr, $3  }
0x3a: {  	_ = 	snop  }
0x3b: {  	_ = 	snop  }
0x3c: {  	p2 =	seq.s32 s10, $0x1;
	s10 =	sld [smem:$0x3FB8]  }
0x3d: {  	_ =	shalt  }
0x3e: {  	_ =	shalt  }
0x3f: {  	_ =	shalt  }
0x40: {  	_ =	shalt  }
0x41: {  	_ =	shalt  }
0x42: {  	_ =	shalt  }
0x43: {  	_ =	shalt  }
0x44: {  	_ =	shalt  }
0x45: {  	_ =	shalt  }
0x46: {  	_ =	shalt  }
0x47: {  	_ =	shalt  }
0x48: {  	_ =	shalt  }
0x49: {  	_ =	shalt  }
0x4a: {  	_ =	shalt  }
0x4b: {  	_ =	shalt  }
0x4c: {  	_ =	shalt  }
0x4d: {  	_ =	shalt  }
0x4e: {  	_ =	shalt  }
0x4f: {  	_ =	shalt  }
0x50: {  	_ =	shalt  }
0x51: {  	_ =	shalt  }
0x52: {  	_ =	shalt  }
0x53: {  	_ =	shalt  }
0x54: {  	_ =	shalt  }
0x55: {  	_ =	shalt  }
0x56: {  	_ =	shalt  }
0x57: {  	_ =	shalt  }
0x58: {  	_ =	shalt  }
0x59: {  	_ =	shalt  }
0x5a: {  	_ =	shalt  }
0x5b: {  	_ =	shalt  }
0x5c: {  	_ =	shalt  }
0x5d: {  	_ =	shalt  }
0x5e: {  	_ =	shalt  }
0x5f: {  	_ =	shalt  }
0x60: {  	_ =	shalt  }
0x61: {  	_ =	shalt  }
0x62: {  	_ =	shalt  }
0x63: {  	_ =	shalt  }
0x64: {  	_ =	shalt  }
0x65: {  	_ =	shalt  }
0x66: {  	_ =	shalt  }
0x67: {  	_ =	shalt  }
0x68: {  	_ =	shalt  }
0x69: {  	_ =	shalt  }
0x6a: {  	_ =	shalt  }
0x6b: {  	_ =	shalt  }
0x6c: {  	_ =	shalt  }
0x6d: {  	_ =	shalt  }
0x6e: {  	_ =	shalt  }
0x6f: {  	_ =	shalt  }
0x70: {  	_ =	shalt  }
0x71: {  	_ =	shalt  }
0x72: {  	_ =	shalt  }
0x73: {  	_ =	shalt  }
0x74: {  	_ =	shalt  }
0x75: {  	_ =	shalt  }
0x76: {  	_ =	shalt  }
0x77: {  	_ =	shalt  }
0x78: {  	_ =	shalt  }
0x79: {  	_ =	shalt  }
0x7a: {  	_ =	shalt  }
0x7b: {  	_ =	shalt  }
0x7c: {  	_ =	shalt  }
0x7d: {  	_ =	shalt  }
0x7e: {  	_ =	shalt  }
0x7f: {  	_ =	shalt  }
0x80: {  	_ =	shalt  }
0x81: {  	_ =	shalt  }
0x82: {  	_ =	shalt  }
0x83: {  	_ =	shalt  }
0x84: {  	_ =	shalt  }
0x85: {  	_ =	shalt  }
0x86: {  	_ =	shalt  }
0x87: {  	_ =	shalt  }
.Lfunc_end0:
.L_simem_size_0:
called_computation_lowered:
.L_overlay_start_0:
0x88: {  	s2 =	sld [smem:$0x3FD9]  }
0x89: {  	s3 =	sld [smem:$0x3FFE];
	_ =	sdelay $0x1  }
0x8a: {  	s1 =	srdreg.scid  }
0x8b: {  	s0 =	sand.u32 $0x1, s1  }
0x8c: {  	s17 =	sshll.u32 s0, $0xA;
	s2 =	sadd.s32 s3, s2  }
0x8d: {  	s2 =	sadd.s32 s2, s17  }
0x8e: {  	[smem:$0x3FC4] =	sst s2  }
0x8f: {  	_ = 	snop  }
0x90: {  	s2 =	sld [smem:$0x3FD0];
	(tm) =	ssettm $0x1  }
0x91: {  	s18 =	sld [smem:$0x3FFB];
	_ =	sdelay $0x3  }
0x92: {  	_ =	strace s18  }
0x93: {  	s3 =	sld [smem:$0x3FFC];
	_ =	sdelay $0x3  }
0x94: {  	_ =	strace s3  }
0x95: {  	s3 =	sld [smem:$0x3FFD];
	_ =	sdelay $0x3  }
0x96: {  	_ =	strace s3  }
0x97: {  	_ =	strace $0x8FFFFFFF  }
0x98: {  	s19 =	sld [smem:$0x3FDB];
	_ =	sdelay $0x1  }
0x99: {  	s4 =	simm.s32 $_scs_section_size  }
0x9a: {  	s5 =	simm.s32 $_size__tile_overlayer_lowered;
	s6 =	simm.s32 $_tile_overlayer_lowered  }
0x9b: {  	s22 =	simm.s32 $0x1BFF;
	s21 =	sshll.u32 s6, $0x1;
	s3 =	sadd.s32 s4, s19  }
0x9c: {  	s7 =	simm.s32 $0x0;
	s20 =	sshll.u32 s5, $0x1;
	s5 =	sadd.s32 s21, s3  }
0x9d: {  	[timem:s7], [sflag:s22] =	dma.local [hbm:s5], s20  }
0x9e: {  	_ =	swait.ge [sflag:s22], s20  }
0x9f: {  	s4 =	ssub.s32 $0x0, s20;
	[sflag:s22] =	ssyncset.done $0x0  }
0xa0: {  	[sflag:s22] =	ssyncadd.s32 s4;
	_ =	sdelay $0x1  }
0xa1: {  	s23 =	simm.s32 $0x1B8B  }
0xa2: {  	_ =	swait.ge [sflag:s23], $0x1  }
0xa3: {  	[sflag:s23] =	ssyncset.done $0x0  }
0xa4: {  	s25 =	simm.s32 $0x1B8E;
	s24 =	sld [smem:$0x3FFE];
	[sflag:s23] =	ssyncadd.s32 $0xFFFFFFFF  }
0xa5: {  	s26 =	simm.s32 $execute0_lowered;
	[smem:$0x3FD2] =	sst s25  }
0xa6: {  	s5 =	sshll.u32 s26, $0x1;
	_ =	strace $0x80000049;
	[dreg:$0x1] =	wrdreg $0xFFFFFFFF  }
0xa7: {  	s28 =	simm.s32 $_size_execute0_lowered;
	s3 =	sadd.s32 s3, s5;
	[dreg:$0x0] =	wrdreg $0x0  }
0xa8: {  	s5 =	sshll.u32 s28, $0x1;
	[dreg:$0x2] =	wrdreg s3  }
0xa9: {  	[dreg:$0x3] =	wrdreg s5  }
0xaa: {  	[dreg:$0x4] =	wrdreg $0xC0  }
0xab: {  	_ =	task [dreg:s7], $0x5FFFF  }
0xac: {  	[dreg:$0x1] =	wrdreg $0xFFFFFFFF  }
0xad: {  	[dreg:$0x0] =	wrdreg $0x60  }
0xae: {  	[dreg:$0x2] =	wrdreg s24  }
0xaf: {  	[dreg:$0x3] =	wrdreg s2  }
0xb0: {  	[dreg:$0x4] =	wrdreg $0x9  }
0xb1: {  	_ =	task.clear_ibuf [dreg:s7], $0x5FFFF;
	_ =	strace $0x90000049  }
0xb2: {  	s29 =	simm.s32 $0x9;
	_ =	strace $0x8000004B  }
0xb3: {  	_ =	swait.ge [sflag:s29], $0x1  }
0xb4: {  	[sflag:s29] =	ssyncadd.s32 $0xFFFFFFFF  }
0xb5: {  	_ =	strace $0x9000004B  }
0xb6: {  	_ =	sfence  }
0xb7: {  	s30 =	sld [smem:$0x0];
	_ =	sdelay $0x2  }
0xb8: {  	s31 =	sshll.u32 s1, $0xD;
	s1 =	sshrl.u32 s1, $0x2  }
0xb9: {  	s3 =	sand.u32 $0x4000, s31;
	s1 =	sadd.s32 s1, s30  }
0xba: {  	s0 =	sor.u32 s3, s0;
	s1 =	sshll.u32 s1, $0x11  }
0xbb: {  	s0 =	sor.u32 s1, s0  }
0xbc: {  	s0 =	sadd.s32 $0x8F2B, s0  }
0xbd: {  	[sflag:s0] =	ssyncadd.remote.s32 $0x1  }
0xbe: {  	_ =	sfence.sel $0xFFFF  }
0xbf: {  	[dreg:$0x0] =	wrdreg $0xFFFFFFFF;
	(pc) =	sbr.abs _section_cstart, $3  }
0xc0: {  	[dreg:$0x1] =	wrdreg $0xFFFFFFFF  }
0xc1: {  	_ =	task.clear_ibuf [dreg:s7], $0x2FFFF;
	_ =	strace $0x9FFFFFFF  }
0xc2: {  	(tm) =	ssettm $0x7FFFFFFF  }
0xc3: {  	_ =	shalt  }
tec
execute0_lowered:
.L_overlay_start_1:
0x0: {  	(tag) =	ssettag $0x1  }
0x1: {  	s2 =	rddreg [dreg:$0x0]  }
0x2: {  	s3 =	rddreg [dreg:$0x1]  }
0x3: {  	s0 =	rddreg [dreg:$0x2];
	s1 =	srdreg.scid;
	_ =	strace $0x8000004A  }
0x4: {  	s4 =	simm.s32 $0x1;
	s9 =	simm.s32 $0x3;
	s5 =	sshll.u32 s1, $0x4  }
.Ltmp0:
0x5: {  	s1 =	stileid.u32;
	s5 =	sand.u32 $0x10, s5;
	(pc) =	sbr.rel .LBB2_1-.Ltmp0, $4  }
0x6: {  	s11 =	simm.s32 $0x0;
	p0 =	por $0x0, $0x0;
	s6 =	sor.u32 s1, s5  }
0x7: {  	[sflag:s4] =	ssyncpa.u1 $0x0;
	s5 =	simm.s32 $0x2;
	s6 =	sshll.u32 s6, $0x8  }
0x8: {  	s7 =	sadd.s32 $0x140000, s2;
	[sflag:s5] =	ssyncpa.u1 $0x0;
	s8 =	sadd.s32 $0x100, s6  }
0x9: {  	vm0 =	vmmov $0xff;
	vm1 =	vcmask $0x3F20;
	[sflag:s9] =	ssyncpa.u1 $0x0;
	s10 =	smov.u32 s6;
	s9 =	simm.s32 $0x0  }
.LBB2_9:
0xa: {  	p1 =	slt.u32 s9, $0x2;
	s11 =	sadd.s32 $0x20, s10  }
0xb: {  	s13 =	smov.u32 s6;
	s9 =	sadd.s32 $0x1, s9;
	p2 =	slt.s32 s11, s8  }
0xc: {  	s13 =	smov.u32 @p2 s11;
	p2 =	sne.s32 s9, $0xA  }
.Ltmp1:
0xd: {  	_ = 	snop;
	(pc) =	sbr.rel @!p2 .LBB2_10-.Ltmp1, $4  }
0xe: {  	s12 =	simm.s32 @!p1 $0x3  }
0xf: {  	_ =	swait.ge @!p1 [sflag:s12], $0x8000  }
0x10: {  	p0 =	por !p0, !p0;
	[sflag:s12] =	ssyncset.done @!p1 $0x0  }
0x11: {  	s11 =	smov.u32 s10;
	s10 =	smov.u32 s13;
	[sflag:s12] =	ssyncadd.s32 @!p1 $0xFFFF8000  }
.LBB2_1:
0x12: {  	p1 =	sgt.u32 s9, $0x7  }
0x13: {  	s12 =	sxor.u32 @!p1 $0xFFFFFFFF, s9  }
0x14: {  	s13 =	sshrl.u32 @!p1 s10, $0x3;
	s12 =	sshll.u32 @!p1 s12, $0x5  }
0x15: {  	s14 =	sand.u32 @!p1 $0x7, s10;
	s13 =	sadd.s32 @!p1 s3, s13;
	s12 =	sand.u32 @!p1 $0x20, s12  }
0x16: {  	[tilespmem:s12], [sflag:$0x2] =	stream.linear.gather @!p1 [hbm4b:s13+s14], $0x20, $0x38;
	[tilespmem:$0x10040] =	vst v63  }
0x17: {  	p1 =	seq.s32 s9, $0x0  }
0x18: {  	p2 =	seq.s32 @!p1 s9, $0x9  }
0x19: {  	p1 =	por p1, p2  }
.Ltmp2:
0x1a: {  	_ = 	snop;
	(pc) =	sbr.rel @p1 .LBB2_9-.Ltmp2, $1  }
0x1b: {  	_ =	sdelay $0x3  }
0x1c: {  	s12 =	simm.s32 $0x1  }
0x1d: {  	_ =	swait.ge [sflag:s5], $0x20;
	s13 =	sand.u32 $0x1, s9;
	s12 =	simm.s32 @!p0 $0x0  }
0x1e: {  	s15 =	simm.s32 $0x0;
	p2 =	por $0x1, $0x1;
	s12 =	sshll.u32 s12, $0x11  }
0x1f: {  	[sflag:s5] =	ssyncset.done $0x0;
	s13 =	sshll.u32 s13, $0x5;
	s14 =	sshrl.u32 s12, $0x2  }
0x20: {  	[sflag:s5] =	ssyncadd.s32 $0xFFFFFFE0;
	s12 =	sor.u32 $0x40, s14;
	s14 =	sadd.s32 $0x40, s14  }
.LBB2_3:
0x21: {  	s16 =	sshll.u32 s15, $0x4  }
0x22: {  	s16 =	sand.u32 $0x3FFFFFF0, s16  }
0x23: {  	s16 =	sadd.s32 s16, s13  }
0x24: {  	v0 =	vld.msk [tilespmem:s16+$0x0 ss:$0x1], $0xffff;
	_ =	sdelay $0x4  }
0x25: {  	vm2 =	vgt.s32 v0, $0x0  }
0x26: {  	v0 =	vnsel vm2, $0x0, v0  }
0x27: {  	v0 =	vmin.u32 v0, $0x27FF  }
0x28: {  	v1 =	vshll.u32 v0, $0x7;
	v0 =	vshll.u32 v0, $0x4  }
0x29: {  	v1 =	vand.u32 $0x1FFC00, v1;
	v0 =	vand.u32 $0x70, v0  }
0x2a: {  	v0 =	vor.u32 v0, v1  }
0x2b: {  	s31 =	sshll.u32 s15, $0x10  }
0x2c: {  	s15 =	sshra.s32 s31, $0x2  }
0x2d: {  	s15 =	sadd.s32 s15, s14  }
0x2e: {  	s17 =	sadd.s32 $0x0, s15  }
0x2f: {  	[tilespmem:s17], [sflag:$0x1] =	stream.indirect_vreg.gather [hbm:s7], $0x80, v0, vm0, $0x38;
	[tilespmem:$0x10040] =	vst v63  }
0x30: {  	p1 =	por p2, p2;
	s16 =	simm.s32 $0x1000;
	v1 =	vadd.s32 $0x80, v0;
	s17 =	sadd.s32 $0x2000, s17  }
.LBB2_4:
0x31: {  	[tilespmem:s17], [sflag:$0x1] =	stream.indirect_vreg.gather [hbm:s7], $0x80, v0, vm1, $0x38;
	[tilespmem:$0x10040] =	vst v63  }
0x32: {  	v0 =	vmov v1;
	s17 =	smov.u32 s16;
	p2 =	sne.s32 s16, $0x7000  }
.Ltmp3:
0x33: {  	s16 =	sadd.s32 $0x1000, s16;
	(pc) =	sbr.rel @p2 .LBB2_4-.Ltmp3, $4  }
0x34: {  	s17 =	sshra.s32 s17, $0x2  }
0x35: {  	s17 =	sadd.s32 s17, s15  }
0x36: {  	[tilespmem:s17], [sflag:$0x1] =	stream.indirect_vreg.gather [hbm:s7], $0x80, v1, vm0, $0x38;
	[tilespmem:$0x10040] =	vst v63  }
0x37: {  	s17 =	sadd.s32 $0x2000, s17;
	v1 =	vadd.s32 $0x80, v1  }
0x38: {  	_ = 	snop  }
.Ltmp4:
0x39: {  	_ = 	snop;
	(pc) =	sbr.rel @p1 .LBB2_3-.Ltmp4, $3  }
0x3a: {  	_ =	sdelay $0x1  }
0x3b: {  	[tilespmem:s17], [sflag:$0x1] =	stream.indirect_vreg.gather [hbm:s7], $0x80, v0, vm1, $0x38;
	[tilespmem:$0x10040] =	vst v63  }
0x3c: {  	s15 =	simm.s32 $0x1;
	p2 =	por $0x0, $0x0  }
0x3d: {  	s13 =	sshll.u32 s11, $0x7  }
0x3e: {  	s31 =	sshll.u32 s11, $0x4;
	s13 =	sand.u32 $0xFFFFFC00, s13  }
0x3f: {  	_ =	swait.ge [sflag:s4], $0x8000;
	s11 =	sand.u32 $0x70, s31;
	s13 =	sadd.s32 s13, s2  }
0x40: {  	s14 =	sadd.s32 $0x2000, s12;
	[sflag:s4] =	ssyncset.done $0x0;
	s11 =	sadd.s32 s11, s13  }
0x41: {  	[sflag:s4] =	ssyncadd.s32 $0xFFFF8000;
	s13 =	simm.s32 $0x400;
	s15 =	sadd.s32 $0x0, s11  }
.LBB2_7:
0x42: {  	[hbm:s15] =	stream.linear.scatter [tilespmem:s12], [sflag:$0x3], $0x2000, $0x38;
	[tilespmem:$0x10040] =	vst v63  }
0x43: {  	s15 =	smov.u32 s13;
	s12 =	smov.u32 s14;
	p1 =	sne.s32 s13, $0xC00  }
.Ltmp5:
0x44: {  	s13 =	sadd.s32 $0x400, s13;
	(pc) =	sbr.rel @p1 .LBB2_7-.Ltmp5, $2  }
0x45: {  	_ =	sdelay $0x2  }
0x46: {  	s14 =	sadd.s32 $0x2000, s14;
	s15 =	sadd.s32 s15, s11  }
.Ltmp6:
0x47: {  	(pc) =	sbr.rel .LBB2_9-.Ltmp6, $2  }
0x48: {  	_ =	sdelay $0x2  }
0x49: {  	[hbm:s15] =	stream.linear.scatter [tilespmem:s12], [sflag:$0x3], $0x2000, $0x38;
	[tilespmem:$0x10040] =	vst v63  }
.LBB2_10:
0x4a: {  	_ =	sfence.sel $0x180000  }
0x4b: {  	s2 =	simm.s32 $0x2;
	[bflag:$0x0] =	sbarrier.arrive $0xFFFF  }
0x4c: {  	s30 =	simm.s32 $0x3;
	[sflag:s2] =	ssyncpa.u1 $0x1  }
0x4d: {  	s31 =	simm.s32 $0x1;
	[sflag:s30] =	ssyncpa.u1 $0x1  }
0x4e: {  	[sflag:s31] =	ssyncpa.u1 $0x1  }
0x4f: {  	p0 =	sne.s32 s1, $0x0;
	_ =	strace $0x9000004A  }
0x50: {  	s0 =	sadd.s32 @!p0 $0x100000, s0;
	[bflag:$0x2] =	sbarrier.arrive $0xFFFF  }
0x51: {  	[sflag:s0] =	ssyncadd.tile.s32 @!p0 $0x1;
	_ =	shalt  }
.Lfunc_end2:
_tile_overlayer_lowered:
.L_overlay_start_2:
0x52: {  	(tag) =	ssettag $0x2  }
0x53: {  	s0 =	rddreg [dreg:$0x0];
	s2 =	stileid.u32  }
0x54: {  	s1 =	rddreg [dreg:$0x1];
	p0 =	sne.s32 s2, $0x0  }
0x55: {  	s3 =	rddreg [dreg:$0x2];
	[bflag:$0x3] =	sbarrier.arrive $0xFFFF;
	s2 =	simm.s32 @!p0 $0x1C01  }
0x56: {  	[timem:s3], [sflag:s2] =	dma.local @!p0 [hbm:s0], s1  }
0x57: {  	s0 =	simm.s32 @!p0 $0x1  }
0x58: {  	_ =	swait.ge @!p0 [sflag:s0], s1  }
0x59: {  	s1 =	ssub.s32 @!p0 $0x0, s1;
	[sflag:s0] =	ssyncset.done @!p0 $0x0  }
0x5a: {  	[sflag:s0] =	ssyncadd.s32 @!p0 s1  }
0x5b: {  	[bflag:$0x3] =	sbarrier.arrive $0xFFFF  }
0x5c: {  	_ =	shalt  }

</sc_bundles>
